<compile_context>
chip_gen: v7x
topology: tpu7x:2x2x1
jax: 0.10.2.dev20260603
libtpu: 0.0.44.dev20260713+nightly
codegen_flags: <defaults>
</compile_context>

<pallas_src>
import jax
import jax.numpy as jnp
from jax.experimental import pallas as pl
from jax.experimental.pallas import tpu as pltpu


def _dot_t(a, b):
    return jax.lax.dot_general(a, b, (((1,), (1,)), ((), ())),
                               preferred_element_type=jnp.float32)


def _dot_kk(a, b):
    return jax.lax.dot_general(a, b, (((0,), (0,)), ((), ())),
                               preferred_element_type=jnp.float32)


def _proj_kernel(dt_ref, maskf_ref, rl_ref, base_ref,
                 ce_ref, re_ref, dwrow_ref, db_ref,
                 wb_ref, wc_ref, wr_ref, wd_ref, pb_ref,
                 out_ref):
    G, Nn, Dd = base_ref.shape
    R = G * Nn
    n_run = re_ref.shape[0]
    n_tab = 2 * n_run

    cc = _dot_t(ce_ref[...], wc_ref[...])
    rr = _dot_t(re_ref[...], wr_ref[...])
    vv = _dot_t(dwrow_ref[...], wd_ref[...])
    const = _dot_t(db_ref[...], wd_ref[...]) + pb_ref[...]
    table = jnp.concatenate([rr + cc[0:1, :] + const,
                             rr + cc[1:2, :] + const], axis=0)

    x = base_ref[...].reshape(R, Dd)
    mm = _dot_t(x, wb_ref[...]).reshape(G, Nn, Dd)

    idxf = (maskf_ref[...] * n_run
            + jnp.clip(rl_ref[...], 0, n_run - 1).astype(jnp.float32))

    kio = jax.lax.broadcasted_iota(jnp.int32, (n_tab, Nn), 0).astype(
        jnp.float32)
    for g in range(G):
        idx_row = idxf[g:g + 1, :]
        oh_t = (kio == idx_row).astype(jnp.float32)
        lk = _dot_kk(oh_t, table)
        out_ref[g, :, :] = mm[g] + lk + dt_ref[g, 0] * vv


def kernel(base, change_mask, run_length, delta_t, change_embed, run_embed,
           delta_W, delta_b, proj_W, proj_b):
    Bb, Tt, Nn, Dd = base.shape
    Ee = change_embed.shape[1]
    n_run = run_embed.shape[0]
    BT = Bb * Tt
    G = 8
    grid = (BT // G,)

    base2 = base.reshape(BT, Nn, Dd)
    mask2 = change_mask.reshape(BT, Nn).astype(jnp.float32)
    rl2 = run_length.reshape(BT, Nn).astype(jnp.int32)
    dt2 = delta_t.astype(jnp.float32).reshape(BT, 1)
    wb = proj_W[:, :Dd]
    wc = proj_W[:, Dd:Dd + Ee]
    wr = proj_W[:, Dd + Ee:Dd + 2 * Ee]
    wd = proj_W[:, Dd + 2 * Ee:Dd + 3 * Ee]
    dwrow = delta_W.reshape(1, Ee)
    db2 = delta_b.reshape(1, Ee)
    pb2 = proj_b.reshape(1, Dd)

    rep = lambda shape: pl.BlockSpec(shape, lambda i: (0, 0))
    out = pl.pallas_call(
        _proj_kernel,
        grid=grid,
        in_specs=[
            pl.BlockSpec((G, 1), lambda i: (i, 0)),
            pl.BlockSpec((G, Nn), lambda i: (i, 0)),
            pl.BlockSpec((G, Nn), lambda i: (i, 0)),
            pl.BlockSpec((G, Nn, Dd), lambda i: (i, 0, 0)),
            rep(change_embed.shape),
            rep(run_embed.shape),
            rep((1, Ee)),
            rep((1, Ee)),
            rep((Dd, Dd)),
            rep((Dd, Ee)),
            rep((Dd, Ee)),
            rep((Dd, Ee)),
            rep((1, Dd)),
        ],
        out_specs=pl.BlockSpec((G, Nn, Dd), lambda i: (i, 0, 0)),
        out_shape=jax.ShapeDtypeStruct((BT, Nn, Dd), jnp.float32),
        compiler_params=pltpu.CompilerParams(
            dimension_semantics=("parallel",)),
    )(dt2, mask2, rl2, base2, change_embed, run_embed, dwrow, db2,
      wb, wc, wr, wd, pb2)
    return out.reshape(Bb, Tt, Nn, Dd)

# --- scband reference (transcript-rebuilt; emitter-appended) ---
"""Pipeline reference for scband-temporal-feature-projector-57097295233546 (READ-ONLY COPY).

The authoritative reference and input builder live on the scoring server;
editing this copy changes nothing except your own understanding.
"""

import jax, jax.numpy as jnp
import numpy as np

B, T, N, D = 16, 200, 256, 64
D_EXTRA = 16
MAX_RUN = 32


def setup_inputs(seed: int = 0) -> dict:
    key = jax.random.key(seed)
    ks = jax.random.split(key, 10)
    base = jax.random.normal(ks[0], (B, T, N, D), dtype=jnp.float32)
    change_mask = jax.random.randint(ks[1], (B, T, N), 0, 2).astype(jnp.bool_)
    run_length = jax.random.randint(ks[2], (B, T, N), 0, MAX_RUN + 1).astype(jnp.int32)
    delta_t = jax.random.uniform(ks[3], (B, T), dtype=jnp.float32)
    change_embed = (jax.random.normal(ks[4], (2, D_EXTRA), dtype=jnp.float32) * 0.02)
    run_embed = (jax.random.normal(ks[5], (MAX_RUN + 1, D_EXTRA), dtype=jnp.float32) * 0.02)
    delta_W = (jax.random.normal(ks[6], (D_EXTRA, 1), dtype=jnp.float32) * 0.02)
    delta_b = jnp.zeros((D_EXTRA,), dtype=jnp.float32)
    proj_W = (jax.random.normal(ks[7], (D, D + 3 * D_EXTRA), dtype=jnp.float32) * 0.02)
    proj_b = jnp.zeros((D,), dtype=jnp.float32)
    return {
        'base': base,
        'change_mask': change_mask,
        'run_length': run_length,
        'delta_t': delta_t,
        'change_embed': change_embed,
        'run_embed': run_embed,
        'delta_W': delta_W,
        'delta_b': delta_b,
        'proj_W': proj_W,
        'proj_b': proj_b,
    }


def reference(base, change_mask, run_length, delta_t, change_embed, run_embed, delta_W, delta_b, proj_W, proj_b):
    Bb, Tt, Nn, Dd = base.shape
    max_run = run_embed.shape[0] - 1
    rl = jnp.clip(run_length.astype(jnp.int32), 0, max_run)
    change_feat = jnp.take(change_embed, change_mask.astype(jnp.int32), axis=0)
    run_feat = jnp.take(run_embed, rl, axis=0)
    delta_expanded = jnp.broadcast_to(delta_t[:, :, None, None], (Bb, Tt, Nn, 1)).astype(base.dtype)
    delta_feat = delta_expanded @ delta_W.T + delta_b
    concat = jnp.concatenate([base, change_feat, run_feat, delta_feat], axis=-1)
    return concat @ proj_W.T + proj_b

if __name__ == "__main__":
    import jax
    _d = setup_inputs()
    print(jax.jit(kernel)(*tuple(_d.values())))

</pallas_src>

<mosaic_0001>
module attributes {stable_mosaic.version = 14 : i64} {
  func.func @_proj_kernel(%arg0: i32, %arg1: memref<8x1xf32, #tpu.memory_space<vmem>>, %arg2: memref<8x256xf32, #tpu.memory_space<vmem>>, %arg3: memref<8x256xi32, #tpu.memory_space<vmem>>, %arg4: memref<8x256x64xf32, #tpu.memory_space<vmem>>, %arg5: memref<2x16xf32, #tpu.memory_space<vmem>>, %arg6: memref<33x16xf32, #tpu.memory_space<vmem>>, %arg7: memref<1x16xf32, #tpu.memory_space<vmem>>, %arg8: memref<1x16xf32, #tpu.memory_space<vmem>>, %arg9: memref<64x64xf32, #tpu.memory_space<vmem>>, %arg10: memref<64x16xf32, #tpu.memory_space<vmem>>, %arg11: memref<64x16xf32, #tpu.memory_space<vmem>>, %arg12: memref<64x16xf32, #tpu.memory_space<vmem>>, %arg13: memref<1x64xf32, #tpu.memory_space<vmem>>, %arg14: memref<8x256x64xf32, #tpu.memory_space<vmem>>) attributes {dimension_semantics = [#tpu.dimension_semantics<parallel>], iteration_bounds = array<i64: 400>, scalar_prefetch = 0 : i64, scratch_operands = 0 : i64, tpu.core_type = #tpu.core_type<tc>, window_params = [{transform_indices = @transform_0, window_bounds = array<i64: 8, 1>}, {transform_indices = @transform_1, window_bounds = array<i64: 8, 256>}, {transform_indices = @transform_2, window_bounds = array<i64: 8, 256>}, {transform_indices = @transform_3, window_bounds = array<i64: 8, 256, 64>}, {pipeline_mode = #tpu.pipeline_mode<synchronous>, transform_indices = @transform_4, window_bounds = array<i64: 2, 16>}, {pipeline_mode = #tpu.pipeline_mode<synchronous>, transform_indices = @transform_5, window_bounds = array<i64: 33, 16>}, {pipeline_mode = #tpu.pipeline_mode<synchronous>, transform_indices = @transform_6, window_bounds = array<i64: 1, 16>}, {pipeline_mode = #tpu.pipeline_mode<synchronous>, transform_indices = @transform_7, window_bounds = array<i64: 1, 16>}, {pipeline_mode = #tpu.pipeline_mode<synchronous>, transform_indices = @transform_8, window_bounds = array<i64: 64, 64>}, {pipeline_mode = #tpu.pipeline_mode<synchronous>, transform_indices = @transform_9, window_bounds = array<i64: 64, 16>}, {pipeline_mode = #tpu.pipeline_mode<synchronous>, transform_indices = @transform_10, window_bounds = array<i64: 64, 16>}, {pipeline_mode = #tpu.pipeline_mode<synchronous>, transform_indices = @transform_11, window_bounds = array<i64: 64, 16>}, {pipeline_mode = #tpu.pipeline_mode<synchronous>, transform_indices = @transform_12, window_bounds = array<i64: 1, 64>}, {transform_indices = @transform_13, window_bounds = array<i64: 8, 256, 64>}]} {
    %get3A = arith.constant 0 : index
    %get3A_0 = arith.constant 0 : index
    %get3A_1 = vector.load %arg5[%get3A, %get3A_0] : memref<2x16xf32, #tpu.memory_space<vmem>>, vector<2x16xf32>
    %get3A_2 = arith.constant 0 : index
    %get3A_3 = arith.constant 0 : index
    %get3A_4 = vector.load %arg10[%get3A_2, %get3A_3] : memref<64x16xf32, #tpu.memory_space<vmem>>, vector<64x16xf32>
    %dot_general3A = arith.constant dense<0.000000e+00> : vector<2x64xf32>
    %dot_general3A_5 = tpu.matmul %get3A_1, %get3A_4, %dot_general3A {dimension_numbers = #tpu.dot_dimension_numbers<[1], [1], [0], [0], [0, 0, 1, 0], [], []>, transpose_lhs_hint = false} : vector<2x16xf32>, vector<64x16xf32>, vector<2x64xf32> -> vector<2x64xf32>
    %get3A_6 = arith.constant 0 : index
    %get3A_7 = arith.constant 0 : index
    %get3A_8 = vector.load %arg6[%get3A_6, %get3A_7] : memref<33x16xf32, #tpu.memory_space<vmem>>, vector<33x16xf32>
    %get3A_9 = arith.constant 0 : index
    %get3A_10 = arith.constant 0 : index
    %get3A_11 = vector.load %arg11[%get3A_9, %get3A_10] : memref<64x16xf32, #tpu.memory_space<vmem>>, vector<64x16xf32>
    %dot_general3A_12 = arith.constant dense<0.000000e+00> : vector<33x64xf32>
    %dot_general3A_13 = tpu.matmul %get3A_8, %get3A_11, %dot_general3A_12 {dimension_numbers = #tpu.dot_dimension_numbers<[1], [1], [0], [0], [0, 0, 1, 0], [], []>, transpose_lhs_hint = false} : vector<33x16xf32>, vector<64x16xf32>, vector<33x64xf32> -> vector<33x64xf32>
    %get3A_14 = arith.constant 0 : index
    %get3A_15 = arith.constant 0 : index
    %get3A_16 = vector.load %arg7[%get3A_14, %get3A_15] : memref<1x16xf32, #tpu.memory_space<vmem>>, vector<1x16xf32>
    %get3A_17 = arith.constant 0 : index
    %get3A_18 = arith.constant 0 : index
    %get3A_19 = vector.load %arg12[%get3A_17, %get3A_18] : memref<64x16xf32, #tpu.memory_space<vmem>>, vector<64x16xf32>
    %dot_general3A_20 = arith.constant dense<0.000000e+00> : vector<1x64xf32>
    %dot_general3A_21 = tpu.matmul %get3A_16, %get3A_19, %dot_general3A_20 {dimension_numbers = #tpu.dot_dimension_numbers<[1], [1], [0], [0], [0, 0, 1, 0], [], []>, transpose_lhs_hint = false} : vector<1x16xf32>, vector<64x16xf32>, vector<1x64xf32> -> vector<1x64xf32>
    %get3A_22 = arith.constant 0 : index
    %get3A_23 = arith.constant 0 : index
    %get3A_24 = vector.load %arg8[%get3A_22, %get3A_23] : memref<1x16xf32, #tpu.memory_space<vmem>>, vector<1x16xf32>
    %get3A_25 = arith.constant 0 : index
    %get3A_26 = arith.constant 0 : index
    %get3A_27 = vector.load %arg12[%get3A_25, %get3A_26] : memref<64x16xf32, #tpu.memory_space<vmem>>, vector<64x16xf32>
    %dot_general3A_28 = arith.constant dense<0.000000e+00> : vector<1x64xf32>
    %dot_general3A_29 = tpu.matmul %get3A_24, %get3A_27, %dot_general3A_28 {dimension_numbers = #tpu.dot_dimension_numbers<[1], [1], [0], [0], [0, 0, 1, 0], [], []>, transpose_lhs_hint = false} : vector<1x16xf32>, vector<64x16xf32>, vector<1x64xf32> -> vector<1x64xf32>
    %get3A_30 = arith.constant 0 : index
    %get3A_31 = arith.constant 0 : index
    %get3A_32 = vector.load %arg13[%get3A_30, %get3A_31] : memref<1x64xf32, #tpu.memory_space<vmem>>, vector<1x64xf32>
    %add3A = arith.addf %dot_general3A_29, %get3A_32 : vector<1x64xf32>
    %slice3A = vector.extract_strided_slice %dot_general3A_5 {offsets = [0, 0], sizes = [1, 64], strides = [1, 1]} : vector<2x64xf32> to vector<1x64xf32>
    %add3A_33 = vector.broadcast %slice3A : vector<1x64xf32> to vector<33x64xf32>
    %add3A_34 = arith.addf %dot_general3A_13, %add3A_33 : vector<33x64xf32>
    %add3A_35 = vector.broadcast %add3A : vector<1x64xf32> to vector<33x64xf32>
    %add3A_36 = arith.addf %add3A_34, %add3A_35 : vector<33x64xf32>
    %slice3A_37 = vector.extract_strided_slice %dot_general3A_5 {offsets = [1, 0], sizes = [1, 64], strides = [1, 1]} : vector<2x64xf32> to vector<1x64xf32>
    %add3A_38 = vector.broadcast %slice3A_37 : vector<1x64xf32> to vector<33x64xf32>
    %add3A_39 = arith.addf %dot_general3A_13, %add3A_38 : vector<33x64xf32>
    %add3A_40 = vector.broadcast %add3A : vector<1x64xf32> to vector<33x64xf32>
    %add3A_41 = arith.addf %add3A_39, %add3A_40 : vector<33x64xf32>
    %concatenate3A = tpu.concatenate %add3A_36, %add3A_41 in 0 : vector<33x64xf32>, vector<33x64xf32> -> vector<66x64xf32>
    %get3A_42 = arith.constant 0 : index
    %get3A_43 = arith.constant 0 : index
    %get3A_44 = arith.constant 0 : index
    %get3A_45 = vector.load %arg4[%get3A_42, %get3A_43, %get3A_44] : memref<8x256x64xf32, #tpu.memory_space<vmem>>, vector<8x256x64xf32>
    %reshape3A = vector.shape_cast %get3A_45 : vector<8x256x64xf32> to vector<2048x64xf32>
    %get3A_46 = arith.constant 0 : index
    %get3A_47 = arith.constant 0 : index
    %get3A_48 = vector.load %arg9[%get3A_46, %get3A_47] : memref<64x64xf32, #tpu.memory_space<vmem>>, vector<64x64xf32>
    %dot_general3A_49 = arith.constant dense<0.000000e+00> : vector<2048x64xf32>
    %dot_general3A_50 = tpu.matmul %reshape3A, %get3A_48, %dot_general3A_49 {dimension_numbers = #tpu.dot_dimension_numbers<[1], [1], [0], [0], [0, 0, 1, 0], [], []>, transpose_lhs_hint = false} : vector<2048x64xf32>, vector<64x64xf32>, vector<2048x64xf32> -> vector<2048x64xf32>
    %reshape3A_51 = vector.shape_cast %dot_general3A_50 : vector<2048x64xf32> to vector<8x256x64xf32>
    %get3A_52 = arith.constant 0 : index
    %get3A_53 = arith.constant 0 : index
    %get3A_54 = vector.load %arg2[%get3A_52, %get3A_53] : memref<8x256xf32, #tpu.memory_space<vmem>>, vector<8x256xf32>
    %mul3A = arith.constant 3.300000e+01 : f32
    %mul3A_55 = vector.broadcast %mul3A : f32 to vector<8x256xf32>
    %mul3A_56 = arith.mulf %get3A_54, %mul3A_55 : vector<8x256xf32>
    %get3A_57 = arith.constant 0 : index
    %get3A_58 = arith.constant 0 : index
    %get3A_59 = vector.load %arg3[%get3A_57, %get3A_58] : memref<8x256xi32, #tpu.memory_space<vmem>>, vector<8x256xi32>
    %jit3A = arith.constant 0 : i32
    %jit3A_60 = arith.constant 32 : i32
    %max3A = vector.broadcast %jit3A : i32 to vector<8x256xi32>
    %max3A_61 = arith.maxsi %max3A, %get3A_59 : vector<8x256xi32>
    %min3A = vector.broadcast %jit3A_60 : i32 to vector<8x256xi32>
    %min3A_62 = arith.minsi %min3A, %max3A_61 : vector<8x256xi32>
    %convert_element_type3A = arith.sitofp %min3A_62 : vector<8x256xi32> to vector<8x256xf32>
    %add3A_63 = arith.addf %mul3A_56, %convert_element_type3A : vector<8x256xf32>
    %iota3A = tpu.iota {dimensions = array<i32: 0>} : vector<66x256xi32>
    %convert_element_type3A_64 = arith.sitofp %iota3A : vector<66x256xi32> to vector<66x256xf32>
    %slice3A_65 = vector.extract_strided_slice %add3A_63 {offsets = [0, 0], sizes = [1, 256], strides = [1, 1]} : vector<8x256xf32> to vector<1x256xf32>
    %eq3A = vector.broadcast %slice3A_65 : vector<1x256xf32> to vector<66x256xf32>
    %eq3A_66 = arith.cmpf oeq, %convert_element_type3A_64, %eq3A : vector<66x256xf32>
    %convert_element_type3A_67 = arith.extui %eq3A_66 : vector<66x256xi1> to vector<66x256xi32>
    %convert_element_type3A_68 = arith.sitofp %convert_element_type3A_67 : vector<66x256xi32> to vector<66x256xf32>
    %dot_general3A_69 = arith.constant dense<0.000000e+00> : vector<256x64xf32>
    %dot_general3A_70 = tpu.matmul %convert_element_type3A_68, %concatenate3A, %dot_general3A_69 {dimension_numbers = #tpu.dot_dimension_numbers<[0], [0], [1], [1], [0, 1, 1, 1], [], []>, transpose_lhs_hint = false} : vector<66x256xf32>, vector<66x64xf32>, vector<256x64xf32> -> vector<256x64xf32>
    %slice3A_71 = vector.extract_strided_slice %reshape3A_51 {offsets = [0, 0, 0], sizes = [1, 256, 64], strides = [1, 1, 1]} : vector<8x256x64xf32> to vector<1x256x64xf32>
    %squeeze3A = vector.shape_cast %slice3A_71 : vector<1x256x64xf32> to vector<256x64xf32>
    %add3A_72 = arith.addf %squeeze3A, %dot_general3A_70 : vector<256x64xf32>
    %get3A_73 = arith.constant 0 : index
    %get3A_74 = arith.constant 0 : index
    %get3A_75 = vector.load %arg1[%get3A_73, %get3A_74] : memref<8x1xf32, #tpu.memory_space<vmem>>, vector<1x1xf32>
    %get3A_76 = vector.extract %get3A_75[0, 0] : f32 from vector<1x1xf32>
    %mul3A_77 = vector.broadcast %get3A_76 : f32 to vector<1x64xf32>
    %mul3A_78 = arith.mulf %mul3A_77, %dot_general3A_21 : vector<1x64xf32>
    %add3A_79 = vector.broadcast %mul3A_78 : vector<1x64xf32> to vector<256x64xf32>
    %add3A_80 = arith.addf %add3A_72, %add3A_79 : vector<256x64xf32>
    %swap3A = arith.constant 0 : index
    %swap3A_81 = arith.constant 0 : index
    %swap3A_82 = arith.constant 0 : index
    %swap3A_83 = vector.load %arg14[%swap3A, %swap3A_81, %swap3A_82] : memref<8x256x64xf32, #tpu.memory_space<vmem>>, vector<1x256x64xf32>
    %swap3A_84 = vector.shape_cast %swap3A_83 : vector<1x256x64xf32> to vector<256x64xf32>
    %swap3A_85 = vector.shape_cast %add3A_80 : vector<256x64xf32> to vector<1x256x64xf32>
    tpu.vector_store %arg14[%swap3A, %swap3A_81, %swap3A_82], %swap3A_85 {strides = array<i32>} : memref<8x256x64xf32, #tpu.memory_space<vmem>>, vector<1x256x64xf32>,
    %slice3A_86 = vector.extract_strided_slice %add3A_63 {offsets = [1, 0], sizes = [1, 256], strides = [1, 1]} : vector<8x256xf32> to vector<1x256xf32>
    %eq3A_87 = vector.broadcast %slice3A_86 : vector<1x256xf32> to vector<66x256xf32>
    %eq3A_88 = arith.cmpf oeq, %convert_element_type3A_64, %eq3A_87 : vector<66x256xf32>
    %convert_element_type3A_89 = arith.extui %eq3A_88 : vector<66x256xi1> to vector<66x256xi32>
    %convert_element_type3A_90 = arith.sitofp %convert_element_type3A_89 : vector<66x256xi32> to vector<66x256xf32>
    %dot_general3A_91 = arith.constant dense<0.000000e+00> : vector<256x64xf32>
    %dot_general3A_92 = tpu.matmul %convert_element_type3A_90, %concatenate3A, %dot_general3A_91 {dimension_numbers = #tpu.dot_dimension_numbers<[0], [0], [1], [1], [0, 1, 1, 1], [], []>, transpose_lhs_hint = false} : vector<66x256xf32>, vector<66x64xf32>, vector<256x64xf32> -> vector<256x64xf32>
    %slice3A_93 = vector.extract_strided_slice %reshape3A_51 {offsets = [1, 0, 0], sizes = [1, 256, 64], strides = [1, 1, 1]} : vector<8x256x64xf32> to vector<1x256x64xf32>
    %squeeze3A_94 = vector.shape_cast %slice3A_93 : vector<1x256x64xf32> to vector<256x64xf32>
    %add3A_95 = arith.addf %squeeze3A_94, %dot_general3A_92 : vector<256x64xf32>
    %get3A_96 = arith.constant 1 : index
    %get3A_97 = arith.constant 0 : index
    %get3A_98 = vector.load %arg1[%get3A_96, %get3A_97] : memref<8x1xf32, #tpu.memory_space<vmem>>, vector<1x1xf32>
    %get3A_99 = vector.extract %get3A_98[0, 0] : f32 from vector<1x1xf32>
    %mul3A_100 = vector.broadcast %get3A_99 : f32 to vector<1x64xf32>
    %mul3A_101 = arith.mulf %mul3A_100, %dot_general3A_21 : vector<1x64xf32>
    %add3A_102 = vector.broadcast %mul3A_101 : vector<1x64xf32> to vector<256x64xf32>
    %add3A_103 = arith.addf %add3A_95, %add3A_102 : vector<256x64xf32>
    %swap3A_104 = arith.constant 1 : index
    %swap3A_105 = arith.constant 0 : index
    %swap3A_106 = arith.constant 0 : index
    %swap3A_107 = vector.load %arg14[%swap3A_104, %swap3A_105, %swap3A_106] : memref<8x256x64xf32, #tpu.memory_space<vmem>>, vector<1x256x64xf32>
    %swap3A_108 = vector.shape_cast %swap3A_107 : vector<1x256x64xf32> to vector<256x64xf32>
    %swap3A_109 = vector.shape_cast %add3A_103 : vector<256x64xf32> to vector<1x256x64xf32>
    tpu.vector_store %arg14[%swap3A_104, %swap3A_105, %swap3A_106], %swap3A_109 {strides = array<i32>} : memref<8x256x64xf32, #tpu.memory_space<vmem>>, vector<1x256x64xf32>,
    %slice3A_110 = vector.extract_strided_slice %add3A_63 {offsets = [2, 0], sizes = [1, 256], strides = [1, 1]} : vector<8x256xf32> to vector<1x256xf32>
    %eq3A_111 = vector.broadcast %slice3A_110 : vector<1x256xf32> to vector<66x256xf32>
    %eq3A_112 = arith.cmpf oeq, %convert_element_type3A_64, %eq3A_111 : vector<66x256xf32>
    %convert_element_type3A_113 = arith.extui %eq3A_112 : vector<66x256xi1> to vector<66x256xi32>
    %convert_element_type3A_114 = arith.sitofp %convert_element_type3A_113 : vector<66x256xi32> to vector<66x256xf32>
    %dot_general3A_115 = arith.constant dense<0.000000e+00> : vector<256x64xf32>
    %dot_general3A_116 = tpu.matmul %convert_element_type3A_114, %concatenate3A, %dot_general3A_115 {dimension_numbers = #tpu.dot_dimension_numbers<[0], [0], [1], [1], [0, 1, 1, 1], [], []>, transpose_lhs_hint = false} : vector<66x256xf32>, vector<66x64xf32>, vector<256x64xf32> -> vector<256x64xf32>
    %slice3A_117 = vector.extract_strided_slice %reshape3A_51 {offsets = [2, 0, 0], sizes = [1, 256, 64], strides = [1, 1, 1]} : vector<8x256x64xf32> to vector<1x256x64xf32>
    %squeeze3A_118 = vector.shape_cast %slice3A_117 : vector<1x256x64xf32> to vector<256x64xf32>
    %add3A_119 = arith.addf %squeeze3A_118, %dot_general3A_116 : vector<256x64xf32>
    %get3A_120 = arith.constant 2 : index
    %get3A_121 = arith.constant 0 : index
    %get3A_122 = vector.load %arg1[%get3A_120, %get3A_121] : memref<8x1xf32, #tpu.memory_space<vmem>>, vector<1x1xf32>
    %get3A_123 = vector.extract %get3A_122[0, 0] : f32 from vector<1x1xf32>
    %mul3A_124 = vector.broadcast %get3A_123 : f32 to vector<1x64xf32>
    %mul3A_125 = arith.mulf %mul3A_124, %dot_general3A_21 : vector<1x64xf32>
    %add3A_126 = vector.broadcast %mul3A_125 : vector<1x64xf32> to vector<256x64xf32>
    %add3A_127 = arith.addf %add3A_119, %add3A_126 : vector<256x64xf32>
    %swap3A_128 = arith.constant 2 : index
    %swap3A_129 = arith.constant 0 : index
    %swap3A_130 = arith.constant 0 : index
    %swap3A_131 = vector.load %arg14[%swap3A_128, %swap3A_129, %swap3A_130] : memref<8x256x64xf32, #tpu.memory_space<vmem>>, vector<1x256x64xf32>
    %swap3A_132 = vector.shape_cast %swap3A_131 : vector<1x256x64xf32> to vector<256x64xf32>
    %swap3A_133 = vector.shape_cast %add3A_127 : vector<256x64xf32> to vector<1x256x64xf32>
    tpu.vector_store %arg14[%swap3A_128, %swap3A_129, %swap3A_130], %swap3A_133 {strides = array<i32>} : memref<8x256x64xf32, #tpu.memory_space<vmem>>, vector<1x256x64xf32>,
    %slice3A_134 = vector.extract_strided_slice %add3A_63 {offsets = [3, 0], sizes = [1, 256], strides = [1, 1]} : vector<8x256xf32> to vector<1x256xf32>
    %eq3A_135 = vector.broadcast %slice3A_134 : vector<1x256xf32> to vector<66x256xf32>
    %eq3A_136 = arith.cmpf oeq, %convert_element_type3A_64, %eq3A_135 : vector<66x256xf32>
    %convert_element_type3A_137 = arith.extui %eq3A_136 : vector<66x256xi1> to vector<66x256xi32>
    %convert_element_type3A_138 = arith.sitofp %convert_element_type3A_137 : vector<66x256xi32> to vector<66x256xf32>
    %dot_general3A_139 = arith.constant dense<0.000000e+00> : vector<256x64xf32>
    %dot_general3A_140 = tpu.matmul %convert_element_type3A_138, %concatenate3A, %dot_general3A_139 {dimension_numbers = #tpu.dot_dimension_numbers<[0], [0], [1], [1], [0, 1, 1, 1], [], []>, transpose_lhs_hint = false} : vector<66x256xf32>, vector<66x64xf32>, vector<256x64xf32> -> vector<256x64xf32>
    %slice3A_141 = vector.extract_strided_slice %reshape3A_51 {offsets = [3, 0, 0], sizes = [1, 256, 64], strides = [1, 1, 1]} : vector<8x256x64xf32> to vector<1x256x64xf32>
    %squeeze3A_142 = vector.shape_cast %slice3A_141 : vector<1x256x64xf32> to vector<256x64xf32>
    %add3A_143 = arith.addf %squeeze3A_142, %dot_general3A_140 : vector<256x64xf32>
    %get3A_144 = arith.constant 3 : index
    %get3A_145 = arith.constant 0 : index
    %get3A_146 = vector.load %arg1[%get3A_144, %get3A_145] : memref<8x1xf32, #tpu.memory_space<vmem>>, vector<1x1xf32>
    %get3A_147 = vector.extract %get3A_146[0, 0] : f32 from vector<1x1xf32>
    %mul3A_148 = vector.broadcast %get3A_147 : f32 to vector<1x64xf32>
    %mul3A_149 = arith.mulf %mul3A_148, %dot_general3A_21 : vector<1x64xf32>
    %add3A_150 = vector.broadcast %mul3A_149 : vector<1x64xf32> to vector<256x64xf32>
    %add3A_151 = arith.addf %add3A_143, %add3A_150 : vector<256x64xf32>
    %swap3A_152 = arith.constant 3 : index
    %swap3A_153 = arith.constant 0 : index
    %swap3A_154 = arith.constant 0 : index
    %swap3A_155 = vector.load %arg14[%swap3A_152, %swap3A_153, %swap3A_154] : memref<8x256x64xf32, #tpu.memory_space<vmem>>, vector<1x256x64xf32>
    %swap3A_156 = vector.shape_cast %swap3A_155 : vector<1x256x64xf32> to vector<256x64xf32>
    %swap3A_157 = vector.shape_cast %add3A_151 : vector<256x64xf32> to vector<1x256x64xf32>
    tpu.vector_store %arg14[%swap3A_152, %swap3A_153, %swap3A_154], %swap3A_157 {strides = array<i32>} : memref<8x256x64xf32, #tpu.memory_space<vmem>>, vector<1x256x64xf32>,
    %slice3A_158 = vector.extract_strided_slice %add3A_63 {offsets = [4, 0], sizes = [1, 256], strides = [1, 1]} : vector<8x256xf32> to vector<1x256xf32>
    %eq3A_159 = vector.broadcast %slice3A_158 : vector<1x256xf32> to vector<66x256xf32>
    %eq3A_160 = arith.cmpf oeq, %convert_element_type3A_64, %eq3A_159 : vector<66x256xf32>
    %convert_element_type3A_161 = arith.extui %eq3A_160 : vector<66x256xi1> to vector<66x256xi32>
    %convert_element_type3A_162 = arith.sitofp %convert_element_type3A_161 : vector<66x256xi32> to vector<66x256xf32>
    %dot_general3A_163 = arith.constant dense<0.000000e+00> : vector<256x64xf32>
    %dot_general3A_164 = tpu.matmul %convert_element_type3A_162, %concatenate3A, %dot_general3A_163 {dimension_numbers = #tpu.dot_dimension_numbers<[0], [0], [1], [1], [0, 1, 1, 1], [], []>, transpose_lhs_hint = false} : vector<66x256xf32>, vector<66x64xf32>, vector<256x64xf32> -> vector<256x64xf32>
    %slice3A_165 = vector.extract_strided_slice %reshape3A_51 {offsets = [4, 0, 0], sizes = [1, 256, 64], strides = [1, 1, 1]} : vector<8x256x64xf32> to vector<1x256x64xf32>
    %squeeze3A_166 = vector.shape_cast %slice3A_165 : vector<1x256x64xf32> to vector<256x64xf32>
    %add3A_167 = arith.addf %squeeze3A_166, %dot_general3A_164 : vector<256x64xf32>
    %get3A_168 = arith.constant 4 : index
    %get3A_169 = arith.constant 0 : index
    %get3A_170 = vector.load %arg1[%get3A_168, %get3A_169] : memref<8x1xf32, #tpu.memory_space<vmem>>, vector<1x1xf32>
    %get3A_171 = vector.extract %get3A_170[0, 0] : f32 from vector<1x1xf32>
    %mul3A_172 = vector.broadcast %get3A_171 : f32 to vector<1x64xf32>
    %mul3A_173 = arith.mulf %mul3A_172, %dot_general3A_21 : vector<1x64xf32>
    %add3A_174 = vector.broadcast %mul3A_173 : vector<1x64xf32> to vector<256x64xf32>
    %add3A_175 = arith.addf %add3A_167, %add3A_174 : vector<256x64xf32>
    %swap3A_176 = arith.constant 4 : index
    %swap3A_177 = arith.constant 0 : index
    %swap3A_178 = arith.constant 0 : index
    %swap3A_179 = vector.load %arg14[%swap3A_176, %swap3A_177, %swap3A_178] : memref<8x256x64xf32, #tpu.memory_space<vmem>>, vector<1x256x64xf32>
    %swap3A_180 = vector.shape_cast %swap3A_179 : vector<1x256x64xf32> to vector<256x64xf32>
    %swap3A_181 = vector.shape_cast %add3A_175 : vector<256x64xf32> to vector<1x256x64xf32>
    tpu.vector_store %arg14[%swap3A_176, %swap3A_177, %swap3A_178], %swap3A_181 {strides = array<i32>} : memref<8x256x64xf32, #tpu.memory_space<vmem>>, vector<1x256x64xf32>,
    %slice3A_182 = vector.extract_strided_slice %add3A_63 {offsets = [5, 0], sizes = [1, 256], strides = [1, 1]} : vector<8x256xf32> to vector<1x256xf32>
    %eq3A_183 = vector.broadcast %slice3A_182 : vector<1x256xf32> to vector<66x256xf32>
    %eq3A_184 = arith.cmpf oeq, %convert_element_type3A_64, %eq3A_183 : vector<66x256xf32>
    %convert_element_type3A_185 = arith.extui %eq3A_184 : vector<66x256xi1> to vector<66x256xi32>
    %convert_element_type3A_186 = arith.sitofp %convert_element_type3A_185 : vector<66x256xi32> to vector<66x256xf32>
    %dot_general3A_187 = arith.constant dense<0.000000e+00> : vector<256x64xf32>
    %dot_general3A_188 = tpu.matmul %convert_element_type3A_186, %concatenate3A, %dot_general3A_187 {dimension_numbers = #tpu.dot_dimension_numbers<[0], [0], [1], [1], [0, 1, 1, 1], [], []>, transpose_lhs_hint = false} : vector<66x256xf32>, vector<66x64xf32>, vector<256x64xf32> -> vector<256x64xf32>
    %slice3A_189 = vector.extract_strided_slice %reshape3A_51 {offsets = [5, 0, 0], sizes = [1, 256, 64], strides = [1, 1, 1]} : vector<8x256x64xf32> to vector<1x256x64xf32>
    %squeeze3A_190 = vector.shape_cast %slice3A_189 : vector<1x256x64xf32> to vector<256x64xf32>
    %add3A_191 = arith.addf %squeeze3A_190, %dot_general3A_188 : vector<256x64xf32>
    %get3A_192 = arith.constant 5 : index
    %get3A_193 = arith.constant 0 : index
    %get3A_194 = vector.load %arg1[%get3A_192, %get3A_193] : memref<8x1xf32, #tpu.memory_space<vmem>>, vector<1x1xf32>
    %get3A_195 = vector.extract %get3A_194[0, 0] : f32 from vector<1x1xf32>
    %mul3A_196 = vector.broadcast %get3A_195 : f32 to vector<1x64xf32>
    %mul3A_197 = arith.mulf %mul3A_196, %dot_general3A_21 : vector<1x64xf32>
    %add3A_198 = vector.broadcast %mul3A_197 : vector<1x64xf32> to vector<256x64xf32>
    %add3A_199 = arith.addf %add3A_191, %add3A_198 : vector<256x64xf32>
    %swap3A_200 = arith.constant 5 : index
    %swap3A_201 = arith.constant 0 : index
    %swap3A_202 = arith.constant 0 : index
    %swap3A_203 = vector.load %arg14[%swap3A_200, %swap3A_201, %swap3A_202] : memref<8x256x64xf32, #tpu.memory_space<vmem>>, vector<1x256x64xf32>
    %swap3A_204 = vector.shape_cast %swap3A_203 : vector<1x256x64xf32> to vector<256x64xf32>
    %swap3A_205 = vector.shape_cast %add3A_199 : vector<256x64xf32> to vector<1x256x64xf32>
    tpu.vector_store %arg14[%swap3A_200, %swap3A_201, %swap3A_202], %swap3A_205 {strides = array<i32>} : memref<8x256x64xf32, #tpu.memory_space<vmem>>, vector<1x256x64xf32>,
    %slice3A_206 = vector.extract_strided_slice %add3A_63 {offsets = [6, 0], sizes = [1, 256], strides = [1, 1]} : vector<8x256xf32> to vector<1x256xf32>
    %eq3A_207 = vector.broadcast %slice3A_206 : vector<1x256xf32> to vector<66x256xf32>
    %eq3A_208 = arith.cmpf oeq, %convert_element_type3A_64, %eq3A_207 : vector<66x256xf32>
    %convert_element_type3A_209 = arith.extui %eq3A_208 : vector<66x256xi1> to vector<66x256xi32>
    %convert_element_type3A_210 = arith.sitofp %convert_element_type3A_209 : vector<66x256xi32> to vector<66x256xf32>
    %dot_general3A_211 = arith.constant dense<0.000000e+00> : vector<256x64xf32>
    %dot_general3A_212 = tpu.matmul %convert_element_type3A_210, %concatenate3A, %dot_general3A_211 {dimension_numbers = #tpu.dot_dimension_numbers<[0], [0], [1], [1], [0, 1, 1, 1], [], []>, transpose_lhs_hint = false} : vector<66x256xf32>, vector<66x64xf32>, vector<256x64xf32> -> vector<256x64xf32>
    %slice3A_213 = vector.extract_strided_slice %reshape3A_51 {offsets = [6, 0, 0], sizes = [1, 256, 64], strides = [1, 1, 1]} : vector<8x256x64xf32> to vector<1x256x64xf32>
    %squeeze3A_214 = vector.shape_cast %slice3A_213 : vector<1x256x64xf32> to vector<256x64xf32>
    %add3A_215 = arith.addf %squeeze3A_214, %dot_general3A_212 : vector<256x64xf32>
    %get3A_216 = arith.constant 6 : index
    %get3A_217 = arith.constant 0 : index
    %get3A_218 = vector.load %arg1[%get3A_216, %get3A_217] : memref<8x1xf32, #tpu.memory_space<vmem>>, vector<1x1xf32>
    %get3A_219 = vector.extract %get3A_218[0, 0] : f32 from vector<1x1xf32>
    %mul3A_220 = vector.broadcast %get3A_219 : f32 to vector<1x64xf32>
    %mul3A_221 = arith.mulf %mul3A_220, %dot_general3A_21 : vector<1x64xf32>
    %add3A_222 = vector.broadcast %mul3A_221 : vector<1x64xf32> to vector<256x64xf32>
    %add3A_223 = arith.addf %add3A_215, %add3A_222 : vector<256x64xf32>
    %swap3A_224 = arith.constant 6 : index
    %swap3A_225 = arith.constant 0 : index
    %swap3A_226 = arith.constant 0 : index
    %swap3A_227 = vector.load %arg14[%swap3A_224, %swap3A_225, %swap3A_226] : memref<8x256x64xf32, #tpu.memory_space<vmem>>, vector<1x256x64xf32>
    %swap3A_228 = vector.shape_cast %swap3A_227 : vector<1x256x64xf32> to vector<256x64xf32>
    %swap3A_229 = vector.shape_cast %add3A_223 : vector<256x64xf32> to vector<1x256x64xf32>
    tpu.vector_store %arg14[%swap3A_224, %swap3A_225, %swap3A_226], %swap3A_229 {strides = array<i32>} : memref<8x256x64xf32, #tpu.memory_space<vmem>>, vector<1x256x64xf32>,
    %slice3A_230 = vector.extract_strided_slice %add3A_63 {offsets = [7, 0], sizes = [1, 256], strides = [1, 1]} : vector<8x256xf32> to vector<1x256xf32>
    %eq3A_231 = vector.broadcast %slice3A_230 : vector<1x256xf32> to vector<66x256xf32>
    %eq3A_232 = arith.cmpf oeq, %convert_element_type3A_64, %eq3A_231 : vector<66x256xf32>
    %convert_element_type3A_233 = arith.extui %eq3A_232 : vector<66x256xi1> to vector<66x256xi32>
    %convert_element_type3A_234 = arith.sitofp %convert_element_type3A_233 : vector<66x256xi32> to vector<66x256xf32>
    %dot_general3A_235 = arith.constant dense<0.000000e+00> : vector<256x64xf32>
    %dot_general3A_236 = tpu.matmul %convert_element_type3A_234, %concatenate3A, %dot_general3A_235 {dimension_numbers = #tpu.dot_dimension_numbers<[0], [0], [1], [1], [0, 1, 1, 1], [], []>, transpose_lhs_hint = false} : vector<66x256xf32>, vector<66x64xf32>, vector<256x64xf32> -> vector<256x64xf32>
    %slice3A_237 = vector.extract_strided_slice %reshape3A_51 {offsets = [7, 0, 0], sizes = [1, 256, 64], strides = [1, 1, 1]} : vector<8x256x64xf32> to vector<1x256x64xf32>
    %squeeze3A_238 = vector.shape_cast %slice3A_237 : vector<1x256x64xf32> to vector<256x64xf32>
    %add3A_239 = arith.addf %squeeze3A_238, %dot_general3A_236 : vector<256x64xf32>
    %get3A_240 = arith.constant 7 : index
    %get3A_241 = arith.constant 0 : index
    %get3A_242 = vector.load %arg1[%get3A_240, %get3A_241] : memref<8x1xf32, #tpu.memory_space<vmem>>, vector<1x1xf32>
    %get3A_243 = vector.extract %get3A_242[0, 0] : f32 from vector<1x1xf32>
    %mul3A_244 = vector.broadcast %get3A_243 : f32 to vector<1x64xf32>
    %mul3A_245 = arith.mulf %mul3A_244, %dot_general3A_21 : vector<1x64xf32>
    %add3A_246 = vector.broadcast %mul3A_245 : vector<1x64xf32> to vector<256x64xf32>
    %add3A_247 = arith.addf %add3A_239, %add3A_246 : vector<256x64xf32>
    %swap3A_248 = arith.constant 7 : index
    %swap3A_249 = arith.constant 0 : index
    %swap3A_250 = arith.constant 0 : index
    %swap3A_251 = vector.load %arg14[%swap3A_248, %swap3A_249, %swap3A_250] : memref<8x256x64xf32, #tpu.memory_space<vmem>>, vector<1x256x64xf32>
    %swap3A_252 = vector.shape_cast %swap3A_251 : vector<1x256x64xf32> to vector<256x64xf32>
    %swap3A_253 = vector.shape_cast %add3A_247 : vector<256x64xf32> to vector<1x256x64xf32>
    tpu.vector_store %arg14[%swap3A_248, %swap3A_249, %swap3A_250], %swap3A_253 {strides = array<i32>} : memref<8x256x64xf32, #tpu.memory_space<vmem>>, vector<1x256x64xf32>,
    return
  }
  func.func @transform_0(%arg0: i32) -> (i32, i32) {
    %c0_i32 = arith.constant 0 : i32
    %c0_i32_0 = arith.constant 0 : i32
    return %arg0, %c0_i32 : i32, i32
  }
  func.func @transform_1(%arg0: i32) -> (i32, i32) {
    %c0_i32 = arith.constant 0 : i32
    %c0_i32_0 = arith.constant 0 : i32
    return %arg0, %c0_i32 : i32, i32
  }
  func.func @transform_2(%arg0: i32) -> (i32, i32) {
    %c0_i32 = arith.constant 0 : i32
    %c0_i32_0 = arith.constant 0 : i32
    return %arg0, %c0_i32 : i32, i32
  }
  func.func @transform_3(%arg0: i32) -> (i32, i32, i32) {
    %c0_i32 = arith.constant 0 : i32
    %c0_i32_0 = arith.constant 0 : i32
    %c0_i32_1 = arith.constant 0 : i32
    return %arg0, %c0_i32, %c0_i32_0 : i32, i32, i32
  }
  func.func @transform_4(%arg0: i32) -> (i32, i32) {
    %c0_i32 = arith.constant 0 : i32
    %c0_i32_0 = arith.constant 0 : i32
    %c0_i32_1 = arith.constant 0 : i32
    return %c0_i32, %c0_i32_0 : i32, i32
  }
  func.func @transform_5(%arg0: i32) -> (i32, i32) {
    %c0_i32 = arith.constant 0 : i32
    %c0_i32_0 = arith.constant 0 : i32
    %c0_i32_1 = arith.constant 0 : i32
    return %c0_i32, %c0_i32_0 : i32, i32
  }
  func.func @transform_6(%arg0: i32) -> (i32, i32) {
    %c0_i32 = arith.constant 0 : i32
    %c0_i32_0 = arith.constant 0 : i32
    %c0_i32_1 = arith.constant 0 : i32
    return %c0_i32, %c0_i32_0 : i32, i32
  }
  func.func @transform_7(%arg0: i32) -> (i32, i32) {
    %c0_i32 = arith.constant 0 : i32
    %c0_i32_0 = arith.constant 0 : i32
    %c0_i32_1 = arith.constant 0 : i32
    return %c0_i32, %c0_i32_0 : i32, i32
  }
  func.func @transform_8(%arg0: i32) -> (i32, i32) {
    %c0_i32 = arith.constant 0 : i32
    %c0_i32_0 = arith.constant 0 : i32
    %c0_i32_1 = arith.constant 0 : i32
    return %c0_i32, %c0_i32_0 : i32, i32
  }
  func.func @transform_9(%arg0: i32) -> (i32, i32) {
    %c0_i32 = arith.constant 0 : i32
    %c0_i32_0 = arith.constant 0 : i32
    %c0_i32_1 = arith.constant 0 : i32
    return %c0_i32, %c0_i32_0 : i32, i32
  }
  func.func @transform_10(%arg0: i32) -> (i32, i32) {
    %c0_i32 = arith.constant 0 : i32
    %c0_i32_0 = arith.constant 0 : i32
    %c0_i32_1 = arith.constant 0 : i32
    return %c0_i32, %c0_i32_0 : i32, i32
  }
  func.func @transform_11(%arg0: i32) -> (i32, i32) {
    %c0_i32 = arith.constant 0 : i32
    %c0_i32_0 = arith.constant 0 : i32
    %c0_i32_1 = arith.constant 0 : i32
    return %c0_i32, %c0_i32_0 : i32, i32
  }
  func.func @transform_12(%arg0: i32) -> (i32, i32) {
    %c0_i32 = arith.constant 0 : i32
    %c0_i32_0 = arith.constant 0 : i32
    %c0_i32_1 = arith.constant 0 : i32
    return %c0_i32, %c0_i32_0 : i32, i32
  }
  func.func @transform_13(%arg0: i32) -> (i32, i32, i32) {
    %c0_i32 = arith.constant 0 : i32
    %c0_i32_0 = arith.constant 0 : i32
    %c0_i32_1 = arith.constant 0 : i32
    return %arg0, %c0_i32, %c0_i32_0 : i32, i32, i32
  }
}

</mosaic_0001>

<sc_bundles>
// kernel: sparse-core-data-format-call.cloned.1.call-start
scs
called_computation_lowered:
.L_overlay_start_0:
0x0: {  	s2 =	sld [smem:$0x3FD9]  }
0x1: {  	s3 =	sld [smem:$0x3FFE];
	_ =	sdelay $0x1  }
0x2: {  	s1 =	srdreg.scid  }
0x3: {  	s0 =	sand.u32 $0x1, s1  }
0x4: {  	s18 =	sshll.u32 s0, $0xA;
	s2 =	sadd.s32 s3, s2  }
0x5: {  	s2 =	sadd.s32 s2, s18  }
0x6: {  	[smem:$0x3FBE] =	sst s2  }
0x7: {  	_ = 	snop  }
0x8: {  	s2 =	sld [smem:$0x3FD0];
	(tm) =	ssettm $0x1  }
0x9: {  	s19 =	sld [smem:$0x3FFB];
	_ =	sdelay $0x3  }
0xa: {  	_ =	strace s19  }
0xb: {  	s3 =	sld [smem:$0x3FFC];
	_ =	sdelay $0x3  }
0xc: {  	_ =	strace s3  }
0xd: {  	s3 =	sld [smem:$0x3FFD];
	_ =	sdelay $0x3  }
0xe: {  	_ =	strace s3  }
0xf: {  	_ =	strace $0x8FFFFFFF  }
0x10: {  	s20 =	sld [smem:$0x3FDB];
	_ =	sdelay $0x1  }
0x11: {  	s4 =	simm.s32 $_scs_section_size  }
0x12: {  	s5 =	simm.s32 $_size__tile_overlayer_lowered;
	s6 =	simm.s32 $_tile_overlayer_lowered  }
0x13: {  	s23 =	simm.s32 $0x1BFF;
	s22 =	sshll.u32 s6, $0x1;
	s3 =	sadd.s32 s4, s20  }
0x14: {  	s7 =	simm.s32 $0x0;
	s21 =	sshll.u32 s5, $0x1;
	s5 =	sadd.s32 s22, s3  }
0x15: {  	[timem:s7], [sflag:s23] =	dma.local [hbm:s5], s21  }
0x16: {  	_ =	swait.ge [sflag:s23], s21  }
0x17: {  	s4 =	ssub.s32 $0x0, s21;
	[sflag:s23] =	ssyncset.done $0x0  }
0x18: {  	[sflag:s23] =	ssyncadd.s32 s4;
	_ =	sdelay $0x1  }
0x19: {  	s24 =	simm.s32 $0x1B8B  }
0x1a: {  	_ =	swait.ge [sflag:s24], $0x1  }
0x1b: {  	[sflag:s24] =	ssyncset.done $0x0  }
0x1c: {  	s26 =	simm.s32 $0x1B8E;
	s25 =	sld [smem:$0x3FFE];
	[sflag:s24] =	ssyncadd.s32 $0xFFFFFFFF  }
0x1d: {  	s27 =	simm.s32 $execute0_lowered;
	[smem:$0x3FD2] =	sst s26  }
0x1e: {  	s5 =	sshll.u32 s27, $0x1;
	_ =	strace $0x80000046;
	[dreg:$0x1] =	wrdreg $0xFFFFFFFF  }
0x1f: {  	s28 =	simm.s32 $_size_execute0_lowered;
	s3 =	sadd.s32 s3, s5;
	[dreg:$0x0] =	wrdreg $0x0  }
0x20: {  	s5 =	sshll.u32 s28, $0x1;
	[dreg:$0x2] =	wrdreg s3  }
0x21: {  	[dreg:$0x3] =	wrdreg s5  }
0x22: {  	[dreg:$0x4] =	wrdreg $0xC0  }
0x23: {  	_ =	task [dreg:s7], $0x5FFFF  }
0x24: {  	[dreg:$0x1] =	wrdreg $0xFFFFFFFF  }
0x25: {  	[dreg:$0x0] =	wrdreg $0x60  }
0x26: {  	[dreg:$0x2] =	wrdreg s25  }
0x27: {  	[dreg:$0x3] =	wrdreg s2  }
0x28: {  	[dreg:$0x4] =	wrdreg $0x9  }
0x29: {  	_ =	task.clear_ibuf [dreg:s7], $0x5FFFF;
	_ =	strace $0x90000046  }
0x2a: {  	s29 =	simm.s32 $0x9;
	_ =	strace $0x80000048  }
0x2b: {  	_ =	swait.ge [sflag:s29], $0x1  }
0x2c: {  	[sflag:s29] =	ssyncadd.s32 $0xFFFFFFFF  }
0x2d: {  	_ =	strace $0x90000048  }
0x2e: {  	_ =	sfence  }
0x2f: {  	s30 =	sld [smem:$0x0];
	_ =	sdelay $0x2  }
0x30: {  	s31 =	sshll.u32 s1, $0xD;
	s1 =	sshrl.u32 s1, $0x2  }
0x31: {  	s3 =	sand.u32 $0x4000, s31;
	s1 =	sadd.s32 s1, s30  }
0x32: {  	s0 =	sor.u32 s3, s0;
	s1 =	sshll.u32 s1, $0x11  }
0x33: {  	s0 =	sor.u32 s1, s0  }
0x34: {  	s0 =	sadd.s32 $0x8F2B, s0  }
0x35: {  	[sflag:s0] =	ssyncadd.remote.s32 $0x1  }
0x36: {  	_ =	sfence.sel $0xFFFF  }
0x37: {  	[dreg:$0x0] =	wrdreg $0xFFFFFFFF;
	(pc) =	sbr.abs _section_cstart, $3  }
0x38: {  	[dreg:$0x1] =	wrdreg $0xFFFFFFFF  }
0x39: {  	_ =	task.clear_ibuf [dreg:s7], $0x2FFFF;
	_ =	strace $0x9FFFFFFF  }
0x3a: {  	(tm) =	ssettm $0x7FFFFFFF  }
0x3b: {  	_ =	shalt  }
tec
execute0_lowered:
.L_overlay_start_1:
0x0: {  	(tag) =	ssettag $0x1  }
0x1: {  	s3 =	rddreg [dreg:$0x0]  }
0x2: {  	s0 =	srdreg.scid;
	s2 =	rddreg [dreg:$0x1]  }
0x3: {  	s31 =	simm.s32 $0x2;
	s14 =	simm.s32 $0x0;
	p0 =	por $0x0, $0x0  }
0x4: {  	s9 =	simm.s32 $0x400;
	s10 =	simm.s32 $0x800;
	s0 =	sshll.u32 s0, $0x7  }
0x5: {  	s15 =	simm.s32 $0x0;
	s16 =	simm.s32 $0x0;
	s1 =	sand.u32 $0x80, s0  }
0x6: {  	s11 =	simm.s32 $0x0;
	s12 =	stileid.u32;
	s4 =	ssub.s32 $0x100, s1  }
0x7: {  	s13 =	simm.s32 $0x0;
	s0 =	rddreg [dreg:$0x2];
	s5 =	sshrl.u32 s4, $0x7  }
.Ltmp0:
0x8: {  	s6 =	sshrl.u32 s4, $0x8;
	s5 =	sand.u32 $0x1, s5;
	(pc) =	sbr.rel .LBB1_1-.Ltmp0, $4  }
0x9: {  	_ =	strace $0x80000047;
	s4 =	simm.s32 $0x1;
	s5 =	sadd.s32 s6, s5  }
0xa: {  	s7 =	sshll.u32 s1, $0x4;
	[sflag:s4] =	ssyncpa.u1 $0x0;
	s5 =	smul.u32 $0x64, s5  }
0xb: {  	s7 =	sadd.s32 s7, s3;
	s3 =	stileid.u32;
	[sflag:s31] =	ssyncpa.u1 $0x0  }
0xc: {  	s6 =	sadd.s32 $0xC8F600, s7;
	s7 =	sadd.s32 $0xC90600, s7;
	s8 =	sor.u32 $0x1, s5  }
.LBB1_7:
0xd: {  	s17 =	sadd.s32 $0x2, s11  }
0xe: {  	s15 =	sadd.s32 $0x10, s12;
	s18 =	smov.u32 s12;
	p2 =	sgt.s32 s17, $0xC7  }
0xf: {  	s18 =	smov.u32 @p2 s15  }
0x10: {  	s17 =	simm.s32 @p2 $0x0;
	p2 =	sgt.s32 s18, $0xF  }
0x11: {  	s18 =	smov.u32 @p2 s3;
	p2 =	sne.s32 s13, s8  }
.Ltmp1:
0x12: {  	p1 =	slt.u32 s13, $0x2;
	(pc) =	sbr.rel @!p2 .LBB1_8-.Ltmp1, $4  }
0x13: {  	s16 =	smov.u32 s12;
	s14 =	simm.s32 @!p1 $0x2  }
0x14: {  	p0 =	por !p0, !p0;
	_ =	swait.ge @!p1 [sflag:s14], $0x4000;
	s15 =	smov.u32 s11  }
0x15: {  	[sflag:s14] =	ssyncset.done @!p1 $0x0;
	s11 =	smov.u32 s17;
	s13 =	sadd.s32 $0x1, s13  }
0x16: {  	[sflag:s14] =	ssyncadd.s32 @!p1 $0xFFFFC000;
	s14 =	smov.u32 s1;
	s12 =	smov.u32 s18  }
.LBB1_1:
0x17: {  	p1 =	sge.u32 s13, s5  }
0x18: {  	s18 =	smul.u32 @!p1 $0xC8000, s12  }
0x19: {  	s17 =	sxor.u32 @!p1 $0xFFFFFFFF, s13;
	s19 =	sshll.u32 @!p1 s11, $0xC;
	s21 =	simm.s32 @!p1 $0x40  }
0x1a: {  	s22 =	simm.s32 @!p1 $0x80;
	s17 =	sshll.u32 @!p1 s17, $0xE;
	s20 =	sadd.s32 @!p1 s18, s19  }
0x1b: {  	s17 =	sand.u32 @!p1 $0x4000, s17;
	s18 =	sadd.s32 @!p1 s18, s7;
	s20 =	sadd.s32 @!p1 s6, s20  }
0x1c: {  	[tilespmem:s17], [sflag:$0x1] =	stream.strided.gather @!p1 [hbm4b:s20+s21], $0x2000, s22, s21, $0x38;
	[tilespmem:$0x10100] =	vst v63  }
0x1d: {  	s31 =	sadd.s32 $0xFFFFFFFF, s13;
	s18 =	sadd.s32 @!p1 s19, s18;
	s17 =	sor.u32 @!p1 $0x2000, s17  }
0x1e: {  	[tilespmem:s17], [sflag:$0x1] =	stream.strided.gather @!p1 [hbm4b:s18+s21], $0x2000, s22, s21, $0x38;
	[tilespmem:$0x10100] =	vst v63  }
0x1f: {  	p1 =	sge.u32 s31, s5  }
.Ltmp2:
0x20: {  	_ = 	snop;
	(pc) =	sbr.rel @p1 .LBB1_7-.Ltmp2, $1  }
0x21: {  	_ =	sdelay $0x3  }
0x22: {  	s17 =	simm.s32 $0x1;
	s19 =	sand.u32 $0x1, s13  }
0x23: {  	_ =	swait.ge [sflag:s4], $0x4000;
	s17 =	simm.s32 @!p0 $0x0;
	s19 =	smul.u32 $0x10200, s19  }
0x24: {  	p2 =	por $0x1, $0x1;
	[sflag:s4] =	ssyncset.done $0x0;
	s18 =	smul.u32 $0x10200, s17  }
0x25: {  	s20 =	sshll.u32 s17, $0x10;
	[sflag:s4] =	ssyncadd.s32 $0xFFFFC000;
	s30 =	sshrl.u32 s19, $0x2  }
0x26: {  	s31 =	sshrl.u32 s20, $0x2;
	s20 =	simm.s32 $0x0;
	s18 =	sshrl.u32 s18, $0x2  }
0x27: {  	s17 =	sor.u32 $0x8000, s30;
	s19 =	sadd.s32 $0x20, s31;
	s18 =	sor.u32 $0x8000, s18  }
.LBB1_3:
0x28: {  	s21 =	sshll.u32 s20, $0xD  }
0x29: {  	s21 =	sand.u32 $0x3FFFE000, s21  }
0x2a: {  	s23 =	sadd.s32 s21, s19  }
0x2b: {  	s31 =	smul.u32 $0x8100, s20;
	v3 =	vld [tilespmem:s23+$0x10]  }
0x2c: {  	v1 =	vld [tilespmem:s23+$0xFFFFFFF0]  }
0x2d: {  	s20 =	sshra.s32 s31, $0x2;
	v0 =	vld [tilespmem:s23+$0x0]  }
0x2e: {  	s20 =	sadd.s32 s20, s18;
	v2 =	vld [tilespmem:s23+$0xFFFFFFE0]  }
0x2f: {  	s21 =	sadd.s32 $0x0, s20  }
0x30: {  	p1 =	por p2, p2;
	s22 =	simm.s32 $0x4;
	s23 =	sadd.s32 $0x40, s23;
	[tilespmem:s21+$0x1830 ss:$0x81] =	vst.msk $0xffff, v3  }
.LBB1_4:
0x31: {  	v3 =	vld [tilespmem:s23+$0x10];
	p2 =	sne.s32 s22, $0x1FC;
	[tilespmem:s21+$0x810 ss:$0x81] =	vst.msk $0xffff, v1;
	s24 =	smov.u32 s22;
	s22 =	sadd.s32 $0x4, s22  }
.Ltmp3:
0x32: {  	v1 =	vld [tilespmem:s23+$0xFFFFFFF0];
	[tilespmem:s21+$0x1020 ss:$0x81] =	vst.msk $0xffff, v0;
	(pc) =	sbr.rel @p2 .LBB1_4-.Ltmp3, $4  }
0x33: {  	v0 =	vld [tilespmem:s23+$0x0];
	[tilespmem:s21+$0x0 ss:$0x81] =	vst.msk $0xffff, v2  }
0x34: {  	s21 =	sshra.s32 s24, $0x2;
	v2 =	vld [tilespmem:s23+$0xFFFFFFE0]  }
0x35: {  	s21 =	sadd.s32 s21, s20  }
0x36: {  	s23 =	sadd.s32 $0x40, s23;
	[tilespmem:s21+$0x1830 ss:$0x81] =	vst.msk $0xffff, v3  }
.Ltmp4:
0x37: {  	(pc) =	sbr.rel @p1 .LBB1_3-.Ltmp4, $4  }
0x38: {  	_ = 	snop  }
0x39: {  	[tilespmem:s21+$0x810 ss:$0x81] =	vst.msk $0xffff, v1  }
0x3a: {  	[tilespmem:s21+$0x1020 ss:$0x81] =	vst.msk $0xffff, v0  }
0x3b: {  	s20 =	simm.s32 $0x1;
	p2 =	por $0x0, $0x0;
	[tilespmem:s21+$0x0 ss:$0x81] =	vst.msk $0xffff, v2  }
0x3c: {  	s16 =	smul.u32 $0x64000, s16  }
.Ltmp5:
0x3d: {  	_ = 	snop;
	(pc) =	sbr.rel .LBB1_7-.Ltmp5, $4  }
0x3e: {  	s15 =	sshll.u32 s15, $0xB;
	s16 =	sadd.s32 s2, s16  }
0x3f: {  	s15 =	sadd.s32 s15, s16  }
0x40: {  	s14 =	sadd.s32 s14, s15  }
0x41: {  	[hbm4b:s14+s9] =	stream.strided.scatter [tilespmem:s17], [sflag:$0x2], $0x4000, s10, s9, $0x20;
	[tilespmem:$0x10100] =	vst v63  }
.LBB1_8:
0x42: {  	_ =	sfence.sel $0x180000  }
0x43: {  	s1 =	simm.s32 $0x1;
	[bflag:$0x0] =	sbarrier.arrive $0xFFFF  }
0x44: {  	s31 =	simm.s32 $0x2;
	[sflag:s1] =	ssyncpa.u1 $0x1  }
0x45: {  	[sflag:s31] =	ssyncpa.u1 $0x1  }
0x46: {  	p0 =	sne.s32 s3, $0x0;
	_ =	strace $0x90000047  }
0x47: {  	s0 =	sadd.s32 @!p0 $0x100000, s0;
	[bflag:$0x2] =	sbarrier.arrive $0xFFFF  }
0x48: {  	[sflag:s0] =	ssyncadd.tile.s32 @!p0 $0x1;
	_ =	shalt  }
.Lfunc_end1:
_tile_overlayer_lowered:
.L_overlay_start_2:
0x49: {  	(tag) =	ssettag $0x2  }
0x4a: {  	s0 =	rddreg [dreg:$0x0];
	s2 =	stileid.u32  }
0x4b: {  	s1 =	rddreg [dreg:$0x1];
	p0 =	sne.s32 s2, $0x0  }
0x4c: {  	s3 =	rddreg [dreg:$0x2];
	[bflag:$0x3] =	sbarrier.arrive $0xFFFF;
	s2 =	simm.s32 @!p0 $0x1C01  }
0x4d: {  	[timem:s3], [sflag:s2] =	dma.local @!p0 [hbm:s0], s1  }
0x4e: {  	s0 =	simm.s32 @!p0 $0x1  }
0x4f: {  	_ =	swait.ge @!p0 [sflag:s0], s1  }
0x50: {  	s1 =	ssub.s32 @!p0 $0x0, s1;
	[sflag:s0] =	ssyncset.done @!p0 $0x0  }
0x51: {  	[sflag:s0] =	ssyncadd.s32 @!p0 s1  }
0x52: {  	[bflag:$0x3] =	sbarrier.arrive $0xFFFF  }
0x53: {  	_ =	shalt  }

</sc_bundles>
